<compile_context>
chip_gen: v7x
topology: tpu7x:2x2x1
jax: 0.10.2.dev20260603
libtpu: 0.0.44.dev20260713+nightly
codegen_flags: <defaults>
</compile_context>

<pallas_src>
import jax
import jax.numpy as jnp
from jax import lax
from jax.experimental import pallas as pl
from jax.experimental.pallas import tpu as pltpu
from jax.experimental.pallas import tpu_sc as plsc

N = 2_000_000
K = 119
NC = 2
NS = 16
L = 16
NW = NC * NS

CHUNK = 4_000
NCHUNK = N // CHUNK
ITERS = (NCHUNK + NW - 1) // NW


def _sc_body(z_hbm, shift_hbm, out_hbm,
             tabs_v,
             z0, z1, o0, o1,
             sz0, sz1, so0, so1):
    wid = lax.axis_index("s") * NC + lax.axis_index("c")
    pltpu.sync_copy(shift_hbm, tabs_v)
    zero16 = jnp.zeros((L,), jnp.int32)

    zs = (z0, z1)
    os_ = (o0, o1)
    szs = (sz0, sz1)
    sos = (so0, so1)

    def start_in(c, b):
        @pl.when(c < NCHUNK)
        def _():
            base = c * CHUNK
            pltpu.make_async_copy(
                z_hbm.at[pl.ds(base, CHUNK)], zs[b], szs[b]).start()

    start_in(wid, 0)
    start_in(wid + NW, 1)

    def outer(j, _):
        for b in range(2):
            i = 2 * j + b
            c = wid + i * NW

            @pl.when(c < NCHUNK)
            def _():
                base = c * CHUNK
                pltpu.make_async_copy(
                    z_hbm.at[pl.ds(base, CHUNK)], zs[b], szs[b]).wait()

                @pl.when(i >= 2)
                def _():
                    pltpu.make_async_copy(
                        os_[b], out_hbm.at[pl.ds(base, CHUNK)],
                        sos[b]).wait()

                @plsc.parallel_loop(0, CHUNK, L, unroll=8)
                def _(k):
                    sl = pl.ds(k, L)
                    os_[b][sl] = plsc.load_gather(
                        tabs_v, [zs[b][sl], zero16])

                pltpu.make_async_copy(
                    os_[b], out_hbm.at[pl.ds(base, CHUNK)], sos[b]).start()
                start_in(c + 2 * NW, b)
        return ()

    lax.fori_loop(0, (ITERS + 1) // 2, outer, ())

    for b in range(2):
        pltpu.make_async_copy(
            os_[b], out_hbm.at[pl.ds(0, CHUNK)], sos[b]).wait()


@jax.jit
def kernel(inputs, z, shift_w, scale):
    zi = z.astype(jnp.int32)
    mesh = plsc.VectorSubcoreMesh(
        core_axis_name="c", subcore_axis_name="s",
        num_cores=NC, num_subcores=NS)
    shift_z = pl.kernel(
        _sc_body,
        out_type=jax.ShapeDtypeStruct((N,), jnp.float32),
        mesh=mesh,
        compiler_params=pltpu.CompilerParams(
            needs_layout_passes=False, use_tc_tiling_on_sc=False,
            skip_device_barrier=True, disable_bounds_checks=True),
        scratch_types=[
            pltpu.VMEM((K, 1), jnp.float32),
            pltpu.VMEM((CHUNK,), jnp.int32),
            pltpu.VMEM((CHUNK,), jnp.int32),
            pltpu.VMEM((CHUNK,), jnp.float32),
            pltpu.VMEM((CHUNK,), jnp.float32),
            pltpu.SemaphoreType.DMA,
            pltpu.SemaphoreType.DMA,
            pltpu.SemaphoreType.DMA,
            pltpu.SemaphoreType.DMA,
        ],
    )(zi, shift_w)
    return inputs * scale[0, 0] + shift_z.reshape(N, 1)

# --- scband reference (transcript-rebuilt; emitter-appended) ---
"""Pipeline reference for scband-graph-property-scale-shift-40157944218365 (READ-ONLY COPY).

The authoritative reference and input builder live on the scoring server;
editing this copy changes nothing except your own understanding.
"""

import jax, jax.numpy as jnp
import numpy as np

N = 2_000_000
K = 119  # atomic number vocab (0..118)


def setup_inputs(seed: int = 0) -> dict:
    key = jax.random.key(seed)
    k1, k2, k3, k4 = jax.random.split(key, 4)
    inputs = jax.random.normal(k1, (N, 1), dtype=jnp.float32)
    z = jax.random.randint(k2, (N,), 0, K, dtype=jnp.int64)
    # Learned parameters sized per init statistics computation:
    # shift: per-element reference energies (Embedding table K x 1)
    shift_w = jax.random.normal(k3, (K, 1), dtype=jnp.float32) * 0.1
    # scale: in the torch module it is ones_like(shift) * scalar_rmse, i.e. a
    # constant value replicated over the (K, 1) parameter.
    scale_val = jnp.abs(jax.random.normal(k4, (), dtype=jnp.float32)) + 0.5
    scale = jnp.ones((K, 1), dtype=jnp.float32) * scale_val
    return {"inputs": inputs, "z": z, "shift_w": shift_w, "scale": scale}


def reference(inputs, z, shift_w, scale):
    # Faithful intent of forward: outputs = inputs * scale + shift(z)
    # shift(z) is an embedding gather: shift_w[z] -> (N, 1).
    # scale is a (K, 1) parameter holding a replicated scalar; we gather it per
    # atom (scale[z]) so broadcasting is well-defined for per-atom rows. Since
    # every row of scale holds the same value, this is mathematically identical
    # to multiplying by the scalar scale.
    shift_z = jnp.take(shift_w, z, axis=0)  # (N, 1) embedding lookup
    scale_z = jnp.take(scale, z, axis=0)    # (N, 1)
    outputs = inputs * scale_z + shift_z
    return outputs

if __name__ == "__main__":
    import jax
    _d = setup_inputs()
    print(jax.jit(kernel)(*tuple(_d.values())))

</pallas_src>

<mosaic_0001>
#map = affine_map<(d0, d1) -> (0)>
#map1 = affine_map<(d0, d1) -> (0, 0)>
module attributes {stable_mosaic.version = 14 : i64} {
  func.func @_sc_body(%arg0: i32, %arg1: i32, %arg2: memref<2000000xi32, #tpu.memory_space<hbm>>, %arg3: memref<119x1xf32, #tpu.memory_space<hbm>>, %arg4: memref<2000000xf32, #tpu.memory_space<hbm>>, %arg5: memref<119x1xf32, #tpu.memory_space<vmem>>, %arg6: memref<4000xi32, #tpu.memory_space<vmem>>, %arg7: memref<4000xi32, #tpu.memory_space<vmem>>, %arg8: memref<4000xf32, #tpu.memory_space<vmem>>, %arg9: memref<4000xf32, #tpu.memory_space<vmem>>, %arg10: memref<!tpu.dma_semaphore, #tpu.memory_space<semaphore_mem>>, %arg11: memref<!tpu.dma_semaphore, #tpu.memory_space<semaphore_mem>>, %arg12: memref<!tpu.dma_semaphore, #tpu.memory_space<semaphore_mem>>, %arg13: memref<!tpu.dma_semaphore, #tpu.memory_space<semaphore_mem>>) attributes {dimension_semantics = [#tpu.dimension_semantics<core_parallel>, #tpu.dimension_semantics<subcore_parallel>], iteration_bounds = array<i64: 2, 16>, scalar_prefetch = 0 : i64, scratch_operands = 9 : i64, tpu.core_type = #tpu.core_type<sc_vector_subcore>, window_params = [{transform_indices = #map}, {transform_indices = #map1}, {transform_indices = #map}]} {
    %mul3A = arith.constant 2 : i32
    %mul3A_0 = arith.muli %arg1, %mul3A : i32
    %add3A = arith.addi %mul3A_0, %arg0 : i32
    "tpu.region"() ({
      %run_scoped3A = tpu.sem_alloc : memref<!tpu.dma_semaphore, #tpu.memory_space<semaphore_mem>>
      tpu.enqueue_dma source(%arg3 : memref<119x1xf32, #tpu.memory_space<hbm>>) target(%arg5 : memref<119x1xf32, #tpu.memory_space<vmem>>) target_semaphore(%run_scoped3A : memref<!tpu.dma_semaphore, #tpu.memory_space<semaphore_mem>>)
      tpu.wait_dma2 semaphore(%run_scoped3A : memref<!tpu.dma_semaphore, #tpu.memory_space<semaphore_mem>>) src(%arg3 : memref<119x1xf32, #tpu.memory_space<hbm>>) dst(%arg5 : memref<119x1xf32, #tpu.memory_space<vmem>>)
      tpu.yield
    }) : () -> ()
    %broadcast_in_dim3A = arith.constant 0 : i32
    %broadcast_in_dim3A_1 = vector.broadcast %broadcast_in_dim3A : i32 to vector<16xi32>
    %lt3A = arith.constant 500 : i32
    %lt3A_2 = arith.cmpi slt, %add3A, %lt3A : i32
    %convert_element_type3A = arith.extui %lt3A_2 : i1 to i32
    %cond3A = arith.constant 0 : i32
    %cond3A_3 = arith.cmpi ne, %convert_element_type3A, %cond3A : i32
    scf.if %cond3A_3 {
      %mul3A_22 = arith.constant 4000 : i32
      %mul3A_23 = arith.muli %add3A, %mul3A_22 : i32
      %dma_start3A = tpu.memref_slice %arg2[%mul3A_23] : memref<2000000xi32, #tpu.memory_space<hbm>> -> memref<4000xi32, #tpu.memory_space<hbm>>
      %dma_start3A_24 = tpu.memref_slice %arg2[%mul3A_23] : memref<2000000xi32, #tpu.memory_space<hbm>> -> memref<4000xi32, #tpu.memory_space<hbm>>
      tpu.enqueue_dma source(%dma_start3A_24 : memref<4000xi32, #tpu.memory_space<hbm>>) target(%arg6 : memref<4000xi32, #tpu.memory_space<vmem>>) target_semaphore(%arg10 : memref<!tpu.dma_semaphore, #tpu.memory_space<semaphore_mem>>)
    } else {
    }
    %add3A_4 = arith.constant 32 : i32
    %add3A_5 = arith.addi %add3A, %add3A_4 : i32
    %lt3A_6 = arith.constant 500 : i32
    %lt3A_7 = arith.cmpi slt, %add3A_5, %lt3A_6 : i32
    %convert_element_type3A_8 = arith.extui %lt3A_7 : i1 to i32
    %cond3A_9 = arith.constant 0 : i32
    %cond3A_10 = arith.cmpi ne, %convert_element_type3A_8, %cond3A_9 : i32
    scf.if %cond3A_10 {
      %mul3A_22 = arith.constant 4000 : i32
      %mul3A_23 = arith.muli %add3A_5, %mul3A_22 : i32
      %dma_start3A = tpu.memref_slice %arg2[%mul3A_23] : memref<2000000xi32, #tpu.memory_space<hbm>> -> memref<4000xi32, #tpu.memory_space<hbm>>
      %dma_start3A_24 = tpu.memref_slice %arg2[%mul3A_23] : memref<2000000xi32, #tpu.memory_space<hbm>> -> memref<4000xi32, #tpu.memory_space<hbm>>
      tpu.enqueue_dma source(%dma_start3A_24 : memref<4000xi32, #tpu.memory_space<hbm>>) target(%arg7 : memref<4000xi32, #tpu.memory_space<vmem>>) target_semaphore(%arg11 : memref<!tpu.dma_semaphore, #tpu.memory_space<semaphore_mem>>)
    } else {
    }
    %scan3A = arith.constant 0 : i32
    %scan3A_11 = arith.constant 8 : i32
    %scan3A_12 = arith.addi %scan3A, %scan3A_11 : i32
    %scan3A_13 = arith.constant 1 : i32
    scf.for %scan3A_22 = %scan3A to %scan3A_12 step %scan3A_13  : i32 {
      %mul3A_23 = arith.constant 2 : i32
      %mul3A_24 = arith.muli %mul3A_23, %scan3A_22 : i32
      %add3A_25 = arith.constant 0 : i32
      %add3A_26 = arith.addi %mul3A_24, %add3A_25 : i32
      %mul3A_27 = arith.constant 32 : i32
      %mul3A_28 = arith.muli %add3A_26, %mul3A_27 : i32
      %add3A_29 = arith.addi %add3A, %mul3A_28 : i32
      %lt3A_30 = arith.constant 500 : i32
      %lt3A_31 = arith.cmpi slt, %add3A_29, %lt3A_30 : i32
      %convert_element_type3A_32 = arith.extui %lt3A_31 : i1 to i32
      %cond3A_33 = arith.constant 0 : i32
      %cond3A_34 = arith.cmpi ne, %convert_element_type3A_32, %cond3A_33 : i32
      scf.if %cond3A_34 {
        %mul3A_47 = arith.constant 4000 : i32
        %mul3A_48 = arith.muli %add3A_29, %mul3A_47 : i32
        %dma_wait3A_49 = tpu.memref_slice %arg2[%mul3A_48] : memref<2000000xi32, #tpu.memory_space<hbm>> -> memref<4000xi32, #tpu.memory_space<hbm>>
        %dma_wait3A_50 = tpu.memref_slice %arg2[%mul3A_48] : memref<2000000xi32, #tpu.memory_space<hbm>> -> memref<4000xi32, #tpu.memory_space<hbm>>
        tpu.wait_dma2 semaphore(%arg10 : memref<!tpu.dma_semaphore, #tpu.memory_space<semaphore_mem>>) src(%dma_wait3A_50 : memref<4000xi32, #tpu.memory_space<hbm>>) dst(%arg6 : memref<4000xi32, #tpu.memory_space<vmem>>)
        %ge3A = arith.constant 2 : i32
        %ge3A_51 = arith.cmpi sge, %add3A_26, %ge3A : i32
        %convert_element_type3A_52 = arith.extui %ge3A_51 : i1 to i32
        %cond3A_53 = arith.constant 0 : i32
        %cond3A_54 = arith.cmpi ne, %convert_element_type3A_52, %cond3A_53 : i32
        scf.if %cond3A_54 {
          %dma_wait3A_65 = tpu.memref_slice %arg4[%mul3A_48] : memref<2000000xf32, #tpu.memory_space<hbm>> -> memref<4000xf32, #tpu.memory_space<hbm>>
          %dma_wait3A_66 = tpu.memref_slice %arg4[%mul3A_48] : memref<2000000xf32, #tpu.memory_space<hbm>> -> memref<4000xf32, #tpu.memory_space<hbm>>
          tpu.wait_dma2 semaphore(%arg12 : memref<!tpu.dma_semaphore, #tpu.memory_space<semaphore_mem>>) src(%arg8 : memref<4000xf32, #tpu.memory_space<vmem>>) dst(%dma_wait3A_66 : memref<4000xf32, #tpu.memory_space<hbm>>)
        } else {
        }
        %parallel_loop3A = arith.constant 0 : i32
        %parallel_loop3A_55 = arith.constant 4000 : i32
        %parallel_loop3A_56 = arith.constant 16 : i32
        scf.for %parallel_loop3A_65 = %parallel_loop3A to %parallel_loop3A_55 step %parallel_loop3A_56  : i32 {
          %parallel_loop3A_66 = arith.index_cast %parallel_loop3A_65 : i32 to index
          %parallel_loop3A_67 = tpu.vector_load %arg6[%parallel_loop3A_66] {strides = array<i32>} : memref<4000xi32, #tpu.memory_space<vmem>>, vector<16xi32>,
          %parallel_loop3A_68 = tpu.vector_load_idx %arg5[%parallel_loop3A_67, %broadcast_in_dim3A_1] : memref<119x1xf32, #tpu.memory_space<vmem>>[vector<16xi32>, vector<16xi32>], vector<16xf32>,
          %parallel_loop3A_69 = arith.index_cast %parallel_loop3A_65 : i32 to index
          %parallel_loop3A_70 = tpu.vector_load %arg8[%parallel_loop3A_69] {strides = array<i32>} : memref<4000xf32, #tpu.memory_space<vmem>>, vector<16xf32>,
          tpu.vector_store %arg8[%parallel_loop3A_69], %parallel_loop3A_68 {strides = array<i32>} : memref<4000xf32, #tpu.memory_space<vmem>>, vector<16xf32>,
        } {sc.loop_unroll_factor = 8 : i64, sc.parallel_access}
        %dma_start3A = tpu.memref_slice %arg4[%mul3A_48] : memref<2000000xf32, #tpu.memory_space<hbm>> -> memref<4000xf32, #tpu.memory_space<hbm>>
        %dma_start3A_57 = tpu.memref_slice %arg4[%mul3A_48] : memref<2000000xf32, #tpu.memory_space<hbm>> -> memref<4000xf32, #tpu.memory_space<hbm>>
        tpu.enqueue_dma source(%arg8 : memref<4000xf32, #tpu.memory_space<vmem>>) target(%dma_start3A_57 : memref<4000xf32, #tpu.memory_space<hbm>>) target_semaphore(%arg12 : memref<!tpu.dma_semaphore, #tpu.memory_space<semaphore_mem>>)
        %add3A_58 = arith.constant 64 : i32
        %add3A_59 = arith.addi %add3A_29, %add3A_58 : i32
        %lt3A_60 = arith.constant 500 : i32
        %lt3A_61 = arith.cmpi slt, %add3A_59, %lt3A_60 : i32
        %convert_element_type3A_62 = arith.extui %lt3A_61 : i1 to i32
        %cond3A_63 = arith.constant 0 : i32
        %cond3A_64 = arith.cmpi ne, %convert_element_type3A_62, %cond3A_63 : i32
        scf.if %cond3A_64 {
          %mul3A_65 = arith.constant 4000 : i32
          %mul3A_66 = arith.muli %add3A_59, %mul3A_65 : i32
          %dma_start3A_67 = tpu.memref_slice %arg2[%mul3A_66] : memref<2000000xi32, #tpu.memory_space<hbm>> -> memref<4000xi32, #tpu.memory_space<hbm>>
          %dma_start3A_68 = tpu.memref_slice %arg2[%mul3A_66] : memref<2000000xi32, #tpu.memory_space<hbm>> -> memref<4000xi32, #tpu.memory_space<hbm>>
          tpu.enqueue_dma source(%dma_start3A_68 : memref<4000xi32, #tpu.memory_space<hbm>>) target(%arg6 : memref<4000xi32, #tpu.memory_space<vmem>>) target_semaphore(%arg10 : memref<!tpu.dma_semaphore, #tpu.memory_space<semaphore_mem>>)
        } else {
        }
      } else {
      }
      %mul3A_35 = arith.constant 2 : i32
      %mul3A_36 = arith.muli %mul3A_35, %scan3A_22 : i32
      %add3A_37 = arith.constant 1 : i32
      %add3A_38 = arith.addi %mul3A_36, %add3A_37 : i32
      %mul3A_39 = arith.constant 32 : i32
      %mul3A_40 = arith.muli %add3A_38, %mul3A_39 : i32
      %add3A_41 = arith.addi %add3A, %mul3A_40 : i32
      %lt3A_42 = arith.constant 500 : i32
      %lt3A_43 = arith.cmpi slt, %add3A_41, %lt3A_42 : i32
      %convert_element_type3A_44 = arith.extui %lt3A_43 : i1 to i32
      %cond3A_45 = arith.constant 0 : i32
      %cond3A_46 = arith.cmpi ne, %convert_element_type3A_44, %cond3A_45 : i32
      scf.if %cond3A_46 {
        %mul3A_47 = arith.constant 4000 : i32
        %mul3A_48 = arith.muli %add3A_41, %mul3A_47 : i32
        %dma_wait3A_49 = tpu.memref_slice %arg2[%mul3A_48] : memref<2000000xi32, #tpu.memory_space<hbm>> -> memref<4000xi32, #tpu.memory_space<hbm>>
        %dma_wait3A_50 = tpu.memref_slice %arg2[%mul3A_48] : memref<2000000xi32, #tpu.memory_space<hbm>> -> memref<4000xi32, #tpu.memory_space<hbm>>
        tpu.wait_dma2 semaphore(%arg11 : memref<!tpu.dma_semaphore, #tpu.memory_space<semaphore_mem>>) src(%dma_wait3A_50 : memref<4000xi32, #tpu.memory_space<hbm>>) dst(%arg7 : memref<4000xi32, #tpu.memory_space<vmem>>)
        %ge3A = arith.constant 2 : i32
        %ge3A_51 = arith.cmpi sge, %add3A_38, %ge3A : i32
        %convert_element_type3A_52 = arith.extui %ge3A_51 : i1 to i32
        %cond3A_53 = arith.constant 0 : i32
        %cond3A_54 = arith.cmpi ne, %convert_element_type3A_52, %cond3A_53 : i32
        scf.if %cond3A_54 {
          %dma_wait3A_65 = tpu.memref_slice %arg4[%mul3A_48] : memref<2000000xf32, #tpu.memory_space<hbm>> -> memref<4000xf32, #tpu.memory_space<hbm>>
          %dma_wait3A_66 = tpu.memref_slice %arg4[%mul3A_48] : memref<2000000xf32, #tpu.memory_space<hbm>> -> memref<4000xf32, #tpu.memory_space<hbm>>
          tpu.wait_dma2 semaphore(%arg13 : memref<!tpu.dma_semaphore, #tpu.memory_space<semaphore_mem>>) src(%arg9 : memref<4000xf32, #tpu.memory_space<vmem>>) dst(%dma_wait3A_66 : memref<4000xf32, #tpu.memory_space<hbm>>)
        } else {
        }
        %parallel_loop3A = arith.constant 0 : i32
        %parallel_loop3A_55 = arith.constant 4000 : i32
        %parallel_loop3A_56 = arith.constant 16 : i32
        scf.for %parallel_loop3A_65 = %parallel_loop3A to %parallel_loop3A_55 step %parallel_loop3A_56  : i32 {
          %parallel_loop3A_66 = arith.index_cast %parallel_loop3A_65 : i32 to index
          %parallel_loop3A_67 = tpu.vector_load %arg7[%parallel_loop3A_66] {strides = array<i32>} : memref<4000xi32, #tpu.memory_space<vmem>>, vector<16xi32>,
          %parallel_loop3A_68 = tpu.vector_load_idx %arg5[%parallel_loop3A_67, %broadcast_in_dim3A_1] : memref<119x1xf32, #tpu.memory_space<vmem>>[vector<16xi32>, vector<16xi32>], vector<16xf32>,
          %parallel_loop3A_69 = arith.index_cast %parallel_loop3A_65 : i32 to index
          %parallel_loop3A_70 = tpu.vector_load %arg9[%parallel_loop3A_69] {strides = array<i32>} : memref<4000xf32, #tpu.memory_space<vmem>>, vector<16xf32>,
          tpu.vector_store %arg9[%parallel_loop3A_69], %parallel_loop3A_68 {strides = array<i32>} : memref<4000xf32, #tpu.memory_space<vmem>>, vector<16xf32>,
        } {sc.loop_unroll_factor = 8 : i64, sc.parallel_access}
        %dma_start3A = tpu.memref_slice %arg4[%mul3A_48] : memref<2000000xf32, #tpu.memory_space<hbm>> -> memref<4000xf32, #tpu.memory_space<hbm>>
        %dma_start3A_57 = tpu.memref_slice %arg4[%mul3A_48] : memref<2000000xf32, #tpu.memory_space<hbm>> -> memref<4000xf32, #tpu.memory_space<hbm>>
        tpu.enqueue_dma source(%arg9 : memref<4000xf32, #tpu.memory_space<vmem>>) target(%dma_start3A_57 : memref<4000xf32, #tpu.memory_space<hbm>>) target_semaphore(%arg13 : memref<!tpu.dma_semaphore, #tpu.memory_space<semaphore_mem>>)
        %add3A_58 = arith.constant 64 : i32
        %add3A_59 = arith.addi %add3A_41, %add3A_58 : i32
        %lt3A_60 = arith.constant 500 : i32
        %lt3A_61 = arith.cmpi slt, %add3A_59, %lt3A_60 : i32
        %convert_element_type3A_62 = arith.extui %lt3A_61 : i1 to i32
        %cond3A_63 = arith.constant 0 : i32
        %cond3A_64 = arith.cmpi ne, %convert_element_type3A_62, %cond3A_63 : i32
        scf.if %cond3A_64 {
          %mul3A_65 = arith.constant 4000 : i32
          %mul3A_66 = arith.muli %add3A_59, %mul3A_65 : i32
          %dma_start3A_67 = tpu.memref_slice %arg2[%mul3A_66] : memref<2000000xi32, #tpu.memory_space<hbm>> -> memref<4000xi32, #tpu.memory_space<hbm>>
          %dma_start3A_68 = tpu.memref_slice %arg2[%mul3A_66] : memref<2000000xi32, #tpu.memory_space<hbm>> -> memref<4000xi32, #tpu.memory_space<hbm>>
          tpu.enqueue_dma source(%dma_start3A_68 : memref<4000xi32, #tpu.memory_space<hbm>>) target(%arg7 : memref<4000xi32, #tpu.memory_space<vmem>>) target_semaphore(%arg11 : memref<!tpu.dma_semaphore, #tpu.memory_space<semaphore_mem>>)
        } else {
        }
      } else {
      }
    }
    %scan3A_14 = arith.constant 8 : i32
    %dma_wait3A = arith.constant 0 : i32
    %dma_wait3A_15 = tpu.memref_slice %arg4[%dma_wait3A] : memref<2000000xf32, #tpu.memory_space<hbm>> -> memref<4000xf32, #tpu.memory_space<hbm>>
    %dma_wait3A_16 = arith.constant 0 : i32
    %dma_wait3A_17 = tpu.memref_slice %arg4[%dma_wait3A_16] : memref<2000000xf32, #tpu.memory_space<hbm>> -> memref<4000xf32, #tpu.memory_space<hbm>>
    tpu.wait_dma2 semaphore(%arg12 : memref<!tpu.dma_semaphore, #tpu.memory_space<semaphore_mem>>) src(%arg8 : memref<4000xf32, #tpu.memory_space<vmem>>) dst(%dma_wait3A_17 : memref<4000xf32, #tpu.memory_space<hbm>>)
    %dma_wait3A_18 = arith.constant 0 : i32
    %dma_wait3A_19 = tpu.memref_slice %arg4[%dma_wait3A_18] : memref<2000000xf32, #tpu.memory_space<hbm>> -> memref<4000xf32, #tpu.memory_space<hbm>>
    %dma_wait3A_20 = arith.constant 0 : i32
    %dma_wait3A_21 = tpu.memref_slice %arg4[%dma_wait3A_20] : memref<2000000xf32, #tpu.memory_space<hbm>> -> memref<4000xf32, #tpu.memory_space<hbm>>
    tpu.wait_dma2 semaphore(%arg13 : memref<!tpu.dma_semaphore, #tpu.memory_space<semaphore_mem>>) src(%arg9 : memref<4000xf32, #tpu.memory_space<vmem>>) dst(%dma_wait3A_21 : memref<4000xf32, #tpu.memory_space<hbm>>)
    return
  }
}

</mosaic_0001>

<sc_bundles>
// kernel: kernel.3.cloned.1.call-start
scs
__scs_entry_jumppad:
0x0: {  	(pc) =	sbr.rel $0x88, $3  }
0x1: {  	(tag) =	ssettag $0x0;
	lr =	simm.s32 $0x1  }
0x2: {  	[smem:$0x3F9D] =	sst lr;
	_ =	strace $0xD0000000  }
0x3: {  	_ = 	snop  }
0x4: {  	_ = 	snop  }
0x5: {  	_ = 	snop  }
0x6: {  	_ = 	snop  }
0x7: {  	_ = 	snop  }
__scs_overlays_trampoline_lowered:
0x8: {  	[smem:$0x3FAC] =	sst s0  }
0x9: {  	[smem:$0x3FAD] =	sst s1  }
0xa: {  	[smem:$0x3FAE] =	sst s2  }
0xb: {  	[smem:$0x3FAF] =	sst s3  }
0xc: {  	[smem:$0x3FB0] =	sst s4  }
0xd: {  	[smem:$0x3FB1] =	sst s5  }
0xe: {  	[smem:$0x3FB2] =	sst s6  }
0xf: {  	[smem:$0x3FB3] =	sst s7  }
0x10: {  	[smem:$0x3FB4] =	sst s8  }
0x11: {  	[smem:$0x3FB5] =	sst s9;
	s0 =	simm.s32 @!p0 $0x0  }
0x12: {  	s1 =	sld [smem:$0x3F9B];
	s0 =	simm.s32 @p0 $0x1  }
0x13: {  	[smem:$0x3FB6] =	sst s0;
	s0 =	simm.s32 @!p1 $0x0  }
0x14: {  	s2 =	sld [smem:$0x3F9A];
	s0 =	simm.s32 @p1 $0x1  }
0x15: {  	[smem:$0x3FB7] =	sst s0;
	s0 =	simm.s32 @!p2 $0x0  }
0x16: {  	s3 =	sld [smem:$0x3FDB];
	s0 =	simm.s32 @p2 $0x1  }
0x17: {  	s4 =	simm.s32 $0x1BF5;
	[smem:$0x3FB9] =	sst s0  }
0x18: {  	s0 =	sld [smem:$0x3F9C];
	_ =	swait.ge [sflag:s4], $0x0  }
0x19: {  	s7 =	sld [smem:$0x3F9D]  }
0x1a: {  	s8 =	sadd.s32 $0xFFFFE003, lr  }
0x1b: {  	s9 =	sadd.s32 $0xFFFFFEF7, lr;
	s5 =	simm.s32 $0xFFFFFFFF;
	p2 =	slt.u32 s8, $0xFFFFF086  }
0x1c: {  	p1 =	slt.u32 s9, $0xF7A;
	s5 =	simm.s32 @!p2 $0x0  }
0x1d: {  	s5 =	simm.s32 @p1 $0x1;
	p0 =	seq.s32 s7, s2  }
0x1e: {  	s7 =	smul.u32 @!p0 $0xF7A, s2;
	p2 =	seq.s32 @!p0 s5, $0x0  }
0x1f: {  	s9 =	smul.u32 $0xF7A, s1;
	s8 =	simm.s32 @!p0 $0x1BF5;
	p2 =	por !p2, p0  }
0x20: {  	[sflag:s8] =	ssyncset.s32 @!p0 $0xFFFFF086;
	s6 =	sadd.s32 @!p0 s3, s7;
	s7 =	simm.s32 @!p0 $0x108  }
0x21: {  	s3 =	sadd.s32 s3, s9;
	s6 =	sadd.s32 @!p0 $0x88, s6;
	s7 =	simm.s32 @p2 $0x1082  }
0x22: {  	[simem:s7], [sflag:s8] =	dma.local @!p0 [hbm:s6], $0xF7A  }
0x23: {  	s9 =	sor.u32 $0xD0000000, s2;
	s6 =	simm.s32 $0x108;
	_ =	swait.ge @!p0 [sflag:s8], $0x0  }
0x24: {  	s3 =	sadd.s32 $0x88, s3;
	s6 =	simm.s32 @!p1 $0x1082;
	[sflag:s4] =	ssyncset.s32 $0xFFFFF086  }
0x25: {  	[simem:s6], [sflag:s4] =	dma.local [hbm:s3], $0xF7A  }
0x26: {  	[smem:$0x3F9D] =	sst s1;
	(tag) =	ssettag s2;
	_ =	strace s9  }
0x27: {  	s1 =	sld [smem:$0x3FAD]  }
0x28: {  	s2 =	sld [smem:$0x3FAE]  }
0x29: {  	s4 =	sld [smem:$0x3FB0]  }
0x2a: {  	p0 =	seq.s32 s5, $0x0;
	s5 =	sld [smem:$0x3FB1]  }
0x2b: {  	s6 =	sld [smem:$0x3FB2]  }
0x2c: {  	s7 =	sld [smem:$0x3FB3]  }
0x2d: {  	s3 =	simm.s32 $0x108;
	s8 =	sld [smem:$0x3FB4]  }
0x2e: {  	s3 =	simm.s32 @!p0 $0x1082;
	s9 =	sld [smem:$0x3FB5]  }
0x2f: {  	lr =	sadd.s32 s0, s3;
	s0 =	sld [smem:$0x3FAC]  }
0x30: {  	s3 =	sld [smem:$0x3FAF]  }
0x31: {  	[smem:$0x3FB8] =	sst s10  }
0x32: {  	s10 =	sld [smem:$0x3FB6];
	_ =	sdelay $0x3  }
0x33: {  	p0 =	seq.s32 s10, $0x1;
	s10 =	sld [smem:$0x3FB8];
	_ =	sdelay $0x3  }
0x34: {  	[smem:$0x3FB8] =	sst s10  }
0x35: {  	s10 =	sld [smem:$0x3FB7];
	_ =	sdelay $0x3  }
0x36: {  	p1 =	seq.s32 s10, $0x1;
	s10 =	sld [smem:$0x3FB8];
	_ =	sdelay $0x3  }
0x37: {  	[smem:$0x3FB8] =	sst s10  }
0x38: {  	s10 =	sld [smem:$0x3FB9]  }
0x39: {  	_ = 	snop;
	(pc) =	sbr.ind lr, $3  }
0x3a: {  	_ = 	snop  }
0x3b: {  	_ = 	snop  }
0x3c: {  	p2 =	seq.s32 s10, $0x1;
	s10 =	sld [smem:$0x3FB8]  }
0x3d: {  	_ =	shalt  }
0x3e: {  	_ =	shalt  }
0x3f: {  	_ =	shalt  }
0x40: {  	_ =	shalt  }
0x41: {  	_ =	shalt  }
0x42: {  	_ =	shalt  }
0x43: {  	_ =	shalt  }
0x44: {  	_ =	shalt  }
0x45: {  	_ =	shalt  }
0x46: {  	_ =	shalt  }
0x47: {  	_ =	shalt  }
0x48: {  	_ =	shalt  }
0x49: {  	_ =	shalt  }
0x4a: {  	_ =	shalt  }
0x4b: {  	_ =	shalt  }
0x4c: {  	_ =	shalt  }
0x4d: {  	_ =	shalt  }
0x4e: {  	_ =	shalt  }
0x4f: {  	_ =	shalt  }
0x50: {  	_ =	shalt  }
0x51: {  	_ =	shalt  }
0x52: {  	_ =	shalt  }
0x53: {  	_ =	shalt  }
0x54: {  	_ =	shalt  }
0x55: {  	_ =	shalt  }
0x56: {  	_ =	shalt  }
0x57: {  	_ =	shalt  }
0x58: {  	_ =	shalt  }
0x59: {  	_ =	shalt  }
0x5a: {  	_ =	shalt  }
0x5b: {  	_ =	shalt  }
0x5c: {  	_ =	shalt  }
0x5d: {  	_ =	shalt  }
0x5e: {  	_ =	shalt  }
0x5f: {  	_ =	shalt  }
0x60: {  	_ =	shalt  }
0x61: {  	_ =	shalt  }
0x62: {  	_ =	shalt  }
0x63: {  	_ =	shalt  }
0x64: {  	_ =	shalt  }
0x65: {  	_ =	shalt  }
0x66: {  	_ =	shalt  }
0x67: {  	_ =	shalt  }
0x68: {  	_ =	shalt  }
0x69: {  	_ =	shalt  }
0x6a: {  	_ =	shalt  }
0x6b: {  	_ =	shalt  }
0x6c: {  	_ =	shalt  }
0x6d: {  	_ =	shalt  }
0x6e: {  	_ =	shalt  }
0x6f: {  	_ =	shalt  }
0x70: {  	_ =	shalt  }
0x71: {  	_ =	shalt  }
0x72: {  	_ =	shalt  }
0x73: {  	_ =	shalt  }
0x74: {  	_ =	shalt  }
0x75: {  	_ =	shalt  }
0x76: {  	_ =	shalt  }
0x77: {  	_ =	shalt  }
0x78: {  	_ =	shalt  }
0x79: {  	_ =	shalt  }
0x7a: {  	_ =	shalt  }
0x7b: {  	_ =	shalt  }
0x7c: {  	_ =	shalt  }
0x7d: {  	_ =	shalt  }
0x7e: {  	_ =	shalt  }
0x7f: {  	_ =	shalt  }
0x80: {  	_ =	shalt  }
0x81: {  	_ =	shalt  }
0x82: {  	_ =	shalt  }
0x83: {  	_ =	shalt  }
0x84: {  	_ =	shalt  }
0x85: {  	_ =	shalt  }
0x86: {  	_ =	shalt  }
0x87: {  	_ =	shalt  }
.Lfunc_end0:
.L_simem_size_0:
called_computation_lowered:
.L_overlay_start_0:
0x88: {  	s2 =	sld [smem:$0x3FD9]  }
0x89: {  	s3 =	sld [smem:$0x3FFE];
	_ =	sdelay $0x1  }
0x8a: {  	s1 =	srdreg.scid  }
0x8b: {  	s0 =	sand.u32 $0x1, s1  }
0x8c: {  	s17 =	sshll.u32 s0, $0xA;
	s2 =	sadd.s32 s3, s2  }
0x8d: {  	s2 =	sadd.s32 s2, s17  }
0x8e: {  	[smem:$0x3FC4] =	sst s2  }
0x8f: {  	_ = 	snop  }
0x90: {  	s2 =	sld [smem:$0x3FC8]  }
0x91: {  	s18 =	sld [smem:$0x3FD0];
	(tm) =	ssettm $0x1  }
0x92: {  	s4 =	sld [smem:$0x3FFB];
	_ =	sdelay $0x3  }
0x93: {  	_ =	strace s4  }
0x94: {  	s4 =	sld [smem:$0x3FFC];
	_ =	sdelay $0x3  }
0x95: {  	_ =	strace s4  }
0x96: {  	s4 =	sld [smem:$0x3FFD];
	_ =	sdelay $0x3  }
0x97: {  	_ =	strace s4  }
0x98: {  	_ =	strace $0x8FFFFFFF  }
0x99: {  	s19 =	sld [smem:$0x3FDB];
	_ =	sdelay $0x1  }
0x9a: {  	s5 =	simm.s32 $_scs_section_size  }
0x9b: {  	s6 =	simm.s32 $_size__tile_overlayer_lowered;
	s7 =	simm.s32 $_tile_overlayer_lowered  }
0x9c: {  	s22 =	simm.s32 $0x1BFF;
	s21 =	sshll.u32 s7, $0x1;
	s4 =	sadd.s32 s5, s19  }
0x9d: {  	s8 =	simm.s32 $0x0;
	s20 =	sshll.u32 s6, $0x1;
	s6 =	sadd.s32 s21, s4  }
0x9e: {  	[timem:s8], [sflag:s22] =	dma.local [hbm:s6], s20  }
0x9f: {  	_ =	swait.ge [sflag:s22], s20  }
0xa0: {  	s5 =	ssub.s32 $0x0, s20;
	[sflag:s22] =	ssyncset.done $0x0  }
0xa1: {  	[sflag:s22] =	ssyncadd.s32 s5;
	_ =	sdelay $0x1  }
0xa2: {  	s23 =	simm.s32 $0x1B8B  }
0xa3: {  	_ =	swait.ge [sflag:s23], $0x1  }
0xa4: {  	[sflag:s23] =	ssyncset.done $0x0  }
0xa5: {  	s25 =	simm.s32 $0x1B8E;
	s24 =	sld [smem:$0x3FFE];
	[sflag:s23] =	ssyncadd.s32 $0xFFFFFFFF  }
0xa6: {  	s26 =	simm.s32 $execute0_lowered;
	[smem:$0x3FD2] =	sst s25  }
0xa7: {  	s6 =	sshll.u32 s26, $0x1;
	_ =	strace $0x80000046;
	[dreg:$0x1] =	wrdreg $0xFFFFFFFF  }
0xa8: {  	s28 =	simm.s32 $_size_execute0_lowered;
	s4 =	sadd.s32 s4, s6;
	[dreg:$0x0] =	wrdreg $0x0  }
0xa9: {  	s6 =	sshll.u32 s28, $0x1;
	[dreg:$0x2] =	wrdreg s4  }
0xaa: {  	[dreg:$0x3] =	wrdreg s6  }
0xab: {  	[dreg:$0x4] =	wrdreg $0xC0  }
0xac: {  	_ =	task [dreg:s8], $0x5FFFF  }
0xad: {  	[dreg:$0x1] =	wrdreg $0xFFFFFFFF  }
0xae: {  	[dreg:$0x0] =	wrdreg $0x60  }
0xaf: {  	[dreg:$0x2] =	wrdreg s2  }
0xb0: {  	[dreg:$0x3] =	wrdreg s18  }
0xb1: {  	[dreg:$0x4] =	wrdreg s24  }
0xb2: {  	[dreg:$0x5] =	wrdreg $0x9  }
0xb3: {  	_ =	task.clear_ibuf [dreg:s8], $0x6FFFF;
	_ =	strace $0x90000046  }
0xb4: {  	s29 =	simm.s32 $0x9;
	_ =	strace $0x80000048  }
0xb5: {  	_ =	swait.ge [sflag:s29], $0x1  }
0xb6: {  	[sflag:s29] =	ssyncadd.s32 $0xFFFFFFFF  }
0xb7: {  	_ =	strace $0x90000048  }
0xb8: {  	_ =	sfence  }
0xb9: {  	s30 =	sld [smem:$0x0];
	_ =	sdelay $0x2  }
0xba: {  	s31 =	sshll.u32 s1, $0xD;
	s1 =	sshrl.u32 s1, $0x2  }
0xbb: {  	s3 =	sand.u32 $0x4000, s31;
	s1 =	sadd.s32 s1, s30  }
0xbc: {  	s0 =	sor.u32 s3, s0;
	s1 =	sshll.u32 s1, $0x11  }
0xbd: {  	s0 =	sor.u32 s1, s0  }
0xbe: {  	s0 =	sadd.s32 $0x8F2B, s0  }
0xbf: {  	[sflag:s0] =	ssyncadd.remote.s32 $0x1  }
0xc0: {  	_ =	sfence.sel $0xFFFF  }
0xc1: {  	[dreg:$0x0] =	wrdreg $0xFFFFFFFF;
	(pc) =	sbr.abs _section_cstart, $3  }
0xc2: {  	[dreg:$0x1] =	wrdreg $0xFFFFFFFF  }
0xc3: {  	_ =	task.clear_ibuf [dreg:s8], $0x2FFFF;
	_ =	strace $0x9FFFFFFF  }
0xc4: {  	(tm) =	ssettm $0x7FFFFFFF  }
0xc5: {  	_ =	shalt  }
tec
execute0_lowered:
.L_overlay_start_1:
0x0: {  	(tag) =	ssettag $0x1  }
0x1: {  	s1 =	rddreg [dreg:$0x0]  }
0x2: {  	s3 =	rddreg [dreg:$0x1]  }
0x3: {  	s2 =	srdreg.scid;
	s0 =	stileid.u32  }
0x4: {  	s6 =	rddreg [dreg:$0x2];
	s4 =	simm.s32 $0x0;
	s11 =	simm.s32 $0x3B8  }
0x5: {  	s12 =	simm.s32 $0x1358;
	s13 =	simm.s32 $0x1;
	s14 =	simm.s32 $0x22F8  }
0x6: {  	s15 =	simm.s32 $0x2;
	s7 =	sand.u32 $0x1, s2;
	s5 =	sshll.u32 s0, $0x1  }
0x7: {  	s16 =	simm.s32 $0x3298;
	s17 =	simm.s32 $0x3;
	s5 =	sor.u32 s7, s5  }
0x8: {  	s18 =	simm.s32 $0x4;
	s2 =	rddreg [dreg:$0x3];
	s8 =	smul.u32 $0xFA0, s5  }
.Ltmp0:
0x9: {  	s19 =	simm.s32 $0x0;
	[smem:$0x7FF] =	sst s4;
	(pc) =	sbr.rel .LBB2_1-.Ltmp0, $4  }
0xa: {  	s6 =	sadd.s32 $0x800, s6;
	s7 =	ssub.s32 $0x2, s7;
	s9 =	smul.u32 $0x1F4, s5  }
0xb: {  	_ =	strace $0x80000047;
	s10 =	sshrl.u32 s7, $0x1;
	s8 =	sshrl.u32 s8, $0x3  }
0xc: {  	s10 =	ssub.s32 s7, s10;
	s7 =	sadd.s32 s1, s9;
	s8 =	sadd.s32 s1, s8  }
0xd: {  	s9 =	smax.u32 s10, $0x1;
	s10 =	simm.s32 $0x5;
	s8 =	sadd.s32 $0x3E80, s8  }
.LBB2_13:
0xe: {  	s19 =	sadd.s32 $0x1, s19  }
0xf: {  	_ =	swait.ge [sflag:s17], $0xFA0;
	p0 =	sne.s32 s19, s9  }
.Ltmp1:
0x10: {  	[sflag:s17] =	ssyncset.done $0x0;
	(pc) =	sbr.rel @!p0 .LBB2_14-.Ltmp1, $4  }
0x11: {  	[sflag:s17] =	ssyncadd.s32 $0xFFFFF060  }
0x12: {  	_ =	swait.ge [sflag:s18], $0xFA0  }
0x13: {  	[sflag:s18] =	ssyncset.done $0x0  }
0x14: {  	[sflag:s18] =	ssyncadd.s32 $0xFFFFF060  }
.LBB2_1:
0x15: {  	[tilespmem:s4], [sflag:$0x5] =	stream.linear.gather [hbm4b:s3+s4], $0x3B8, $0x38;
	[tilespmem:$0x4238] =	vst v63  }
0x16: {  	_ =	swait.ge [sflag:s10], $0x3B8  }
.Ltmp2:
0x17: {  	[sflag:s10] =	ssyncset.done $0x0;
	(pc) =	sbr.rel .LBB2_2-.Ltmp2, $4  }
0x18: {  	[sflag:s10] =	ssyncadd.s32 $0xFFFFFC48  }
0x19: {  	[tilespmem:s11], [sflag:$0x1] =	stream.linear.gather [hbm4b:s7+s4], $0xFA0, $0x38;
	[tilespmem:$0x4238] =	vst v63  }
0x1a: {  	s20 =	simm.s32 $0x0  }
0x1b: {  	[tilespmem:s12], [sflag:$0x2] =	stream.linear.gather [hbm4b:s8+s4], $0xFA0, $0x38;
	[tilespmem:$0x4238] =	vst v63  }
.LBB2_12:
0x1c: {  	s20 =	sadd.s32 $0x1, s20  }
0x1d: {  	p0 =	sne.s32 s20, $0x8  }
.Ltmp3:
0x1e: {  	_ = 	snop;
	(pc) =	sbr.rel @!p0 .LBB2_13-.Ltmp3, $1  }
0x1f: {  	_ =	sdelay $0x3  }
.LBB2_2:
0x20: {  	_ =	swait.ge [sflag:s13], $0xFA0  }
0x21: {  	p0 =	seq.s32 s20, $0x0;
	[sflag:s13] =	ssyncset.done $0x0  }
0x22: {  	s21 =	simm.s32 @!p0 $0x3;
	[sflag:s13] =	ssyncadd.s32 $0xFFFFF060  }
0x23: {  	_ =	swait.ge @!p0 [sflag:s21], $0xFA0  }
0x24: {  	[sflag:s21] =	ssyncset.done @!p0 $0x0  }
0x25: {  	s30 =	simm.s32 $0x3F8;
	[sflag:s21] =	ssyncadd.s32 @!p0 $0xFFFFF060  }
0x26: {  	v0 =	vld [tilespmem:s30+$0x30]  }
0x27: {  	v1 =	vld [tilespmem:s30+$0xFFFFFFD0]  }
0x28: {  	v2 =	vld [tilespmem:s30+$0xFFFFFFE0]  }
0x29: {  	v3 =	vld [tilespmem:s30+$0xFFFFFFF0]  }
0x2a: {  	v4 =	vld [tilespmem:s30+$0x0]  }
0x2b: {  	v5 =	vld [tilespmem:s30+$0x10];
	v0 =	vshll.u32 v0, $0x3  }
0x2c: {  	v1 =	vshll.u32 v1, $0x3  }
0x2d: {  	v2 =	vshll.u32 v2, $0x3  }
0x2e: {  	v6 =	vld [tilespmem:s30+$0x20];
	v8 =	vshll.u32 v3, $0x3  }
0x2f: {  	v9 =	vld [tilespmem:s30+$0xFFFFFFC0];
	v10 =	vshll.u32 v4, $0x3  }
0x30: {  	v11 =	vshll.u32 v5, $0x3;
	v7 =	vld.idx.msk [tilespmem:v0+s4+$0x0], $0xffff  }
0x31: {  	v3 =	vld.idx.msk [tilespmem:v1+s4+$0x0], $0xffff  }
0x32: {  	v4 =	vld.idx.msk [tilespmem:v2+s4+$0x0], $0xffff  }
0x33: {  	v2 =	vld.idx.msk [tilespmem:v8+s4+$0x0], $0xffff  }
0x34: {  	s31 =	sshll.u32 s20, $0x6;
	s23 =	simm.s32 $0x2338;
	s26 =	simm.s32 $0x0;
	v5 =	vld.idx.msk [tilespmem:v10+s4+$0x0], $0xffff  }
0x35: {  	s28 =	simm.s32 $0x478;
	s22 =	simm.s32 $0x1338;
	s21 =	sor.u32 s5, s31;
	v0 =	vshll.u32 v6, $0x3;
	v1 =	vshll.u32 v9, $0x3;
	v6 =	vld.idx.msk [tilespmem:v11+s4+$0x0], $0xffff  }
.LBB2_3:
0x36: {  	v8 =	vld [tilespmem:s28+$0x30];
	s26 =	sadd.s32 $0x80, s26;
	[tilespmem:s23+$0x30] =	vst v7;
	s24 =	simm.s32 $0xF70;
	s25 =	simm.s32 $0x3278  }
0x37: {  	v7 =	vld [tilespmem:s28+$0xFFFFFFD0];
	p1 =	slt.u32 s26, $0xF00;
	[tilespmem:s23+$0xFFFFFFD0] =	vst v3  }
0x38: {  	v3 =	vld [tilespmem:s28+$0xFFFFFFE0];
	[tilespmem:s23+$0xFFFFFFE0] =	vst v4  }
0x39: {  	v4 =	vld [tilespmem:s28+$0xFFFFFFF0];
	[tilespmem:s23+$0xFFFFFFF0] =	vst v2  }
0x3a: {  	v2 =	vld [tilespmem:s28+$0x0];
	[tilespmem:s23+$0x0] =	vst v5  }
0x3b: {  	v5 =	vld [tilespmem:s28+$0x10];
	v8 =	vshll.u32 v8, $0x3;
	[tilespmem:s23+$0x10] =	vst v6  }
0x3c: {  	v6 =	vshll.u32 v7, $0x3;
	v9 =	vld [tilespmem:s28+$0x20]  }
0x3d: {  	v10 =	vld [tilespmem:s28+$0xFFFFFFC0];
	v11 =	vshll.u32 v3, $0x3  }
0x3e: {  	v12 =	vshll.u32 v4, $0x3;
	v13 =	vld.idx.msk [tilespmem:v1+s4+$0x0], $0xffff  }
0x3f: {  	v14 =	vshll.u32 v2, $0x3;
	v15 =	vld.idx.msk [tilespmem:v0+s4+$0x0], $0xffff  }
0x40: {  	v16 =	vshll.u32 v5, $0x3;
	v7 =	vld.idx.msk [tilespmem:v8+s4+$0x0], $0xffff  }
.Ltmp4:
0x41: {  	v3 =	vld.idx.msk [tilespmem:v6+s4+$0x0], $0xffff;
	v0 =	vshll.u32 v9, $0x3;
	(pc) =	sbr.rel @p1 .LBB2_3-.Ltmp4, $4  }
0x42: {  	v1 =	vshll.u32 v10, $0x3;
	v4 =	vld.idx.msk [tilespmem:v11+s4+$0x0], $0xffff  }
0x43: {  	v2 =	vld.idx.msk [tilespmem:v12+s4+$0x0], $0xffff  }
0x44: {  	v5 =	vld.idx.msk [tilespmem:v14+s4+$0x0], $0xffff;
	[tilespmem:s23+$0xFFFFFFC0] =	vst v13  }
0x45: {  	s28 =	sadd.s32 $0x80, s28;
	v6 =	vld.idx.msk [tilespmem:v16+s4+$0x0], $0xffff;
	[tilespmem:s23+$0x20] =	vst v15;
	s23 =	sadd.s32 $0x80, s23  }
0x46: {  	_ =	sdelay $0x2  }
0x47: {  	[tilespmem:s23+$0x30] =	vst v7  }
0x48: {  	[tilespmem:s23+$0xFFFFFFD0] =	vst v3;
	v1 =	vld.idx.msk [tilespmem:v1+s4+$0x0], $0xffff  }
0x49: {  	v0 =	vld.idx.msk [tilespmem:v0+s4+$0x0], $0xffff;
	[tilespmem:s23+$0xFFFFFFE0] =	vst v4  }
0x4a: {  	[tilespmem:s23+$0xFFFFFFF0] =	vst v2  }
0x4b: {  	[tilespmem:s23+$0x0] =	vst v5  }
0x4c: {  	[tilespmem:s23+$0x10] =	vst v6  }
0x4d: {  	[tilespmem:s23+$0xFFFFFFC0] =	vst v1  }
0x4e: {  	[tilespmem:s23+$0x20] =	vst v0  }
.LBB2_5:
0x4f: {  	v0 =	vld [tilespmem:s22+$0x0];
	_ =	sdelay $0x4  }
0x50: {  	v0 =	vshll.u32 v0, $0x3;
	_ =	sdelay $0x3  }
0x51: {  	s24 =	sadd.s32 $0x10, s24  }
0x52: {  	p1 =	slt.u32 s24, $0xF90;
	v0 =	vld.idx.msk [tilespmem:v0+s4+$0x0], $0xffff  }
.Ltmp5:
0x53: {  	_ = 	snop;
	(pc) =	sbr.rel @p1 .LBB2_5-.Ltmp5, $2  }
0x54: {  	_ =	sdelay $0x2  }
0x55: {  	s22 =	sadd.s32 $0x10, s22;
	[tilespmem:s25+$0x0] =	vst v0;
	s25 =	sadd.s32 $0x10, s25  }
0x56: {  	s22 =	smul.u32 $0x1F4, s21  }
0x57: {  	p1 =	sgt.u32 s21, $0x1B3  }
0x58: {  	s23 =	smul.u32 @!p1 $0xFA0, s21;
	s22 =	sadd.s32 s6, s22  }
0x59: {  	[hbm4b:s22+s4] =	stream.linear.scatter [tilespmem:s14], [sflag:$0x3], $0xFA0, $0x38;
	[tilespmem:$0x4238] =	vst v63  }
0x5a: {  	s22 =	sshrl.u32 @!p1 s23, $0x3  }
0x5b: {  	s24 =	simm.s32 @!p1 $0x3B8;
	s22 =	sadd.s32 @!p1 s1, s22  }
0x5c: {  	s21 =	sor.u32 $0x20, s21;
	s23 =	simm.s32 @!p1 $0x0;
	s22 =	sadd.s32 @!p1 $0x7D00, s22  }
0x5d: {  	[tilespmem:s24], [sflag:$0x1] =	stream.linear.gather @!p1 [hbm4b:s22+s23], $0xFA0, $0x38;
	[tilespmem:$0x4238] =	vst v63  }
0x5e: {  	p1 =	sgt.u32 s21, $0x1F3  }
.Ltmp6:
0x5f: {  	_ = 	snop;
	(pc) =	sbr.rel @p1 .LBB2_12-.Ltmp6, $1  }
0x60: {  	_ =	sdelay $0x3  }
0x61: {  	_ =	swait.ge [sflag:s15], $0xFA0  }
0x62: {  	[sflag:s15] =	ssyncset.done $0x0  }
0x63: {  	s22 =	simm.s32 @!p0 $0x4;
	[sflag:s15] =	ssyncadd.s32 $0xFFFFF060  }
0x64: {  	_ =	swait.ge @!p0 [sflag:s22], $0xFA0  }
0x65: {  	[sflag:s22] =	ssyncset.done @!p0 $0x0  }
0x66: {  	s31 =	simm.s32 $0x1398;
	[sflag:s22] =	ssyncadd.s32 @!p0 $0xFFFFF060  }
0x67: {  	v0 =	vld [tilespmem:s31+$0x30]  }
0x68: {  	v1 =	vld [tilespmem:s31+$0xFFFFFFD0]  }
0x69: {  	v2 =	vld [tilespmem:s31+$0xFFFFFFE0]  }
0x6a: {  	v3 =	vld [tilespmem:s31+$0xFFFFFFF0]  }
0x6b: {  	v4 =	vld [tilespmem:s31+$0x0]  }
0x6c: {  	v5 =	vld [tilespmem:s31+$0x10];
	v0 =	vshll.u32 v0, $0x3  }
0x6d: {  	v1 =	vshll.u32 v1, $0x3  }
0x6e: {  	v2 =	vshll.u32 v2, $0x3  }
0x6f: {  	v6 =	vld [tilespmem:s31+$0x20];
	v3 =	vshll.u32 v3, $0x3  }
0x70: {  	v8 =	vld [tilespmem:s31+$0xFFFFFFC0];
	v9 =	vshll.u32 v4, $0x3  }
0x71: {  	v10 =	vshll.u32 v5, $0x3;
	v7 =	vld.idx.msk [tilespmem:v0+s4+$0x0], $0xffff  }
0x72: {  	v4 =	vld.idx.msk [tilespmem:v1+s4+$0x0], $0xffff  }
0x73: {  	v5 =	vld.idx.msk [tilespmem:v2+s4+$0x0], $0xffff  }
0x74: {  	v2 =	vld.idx.msk [tilespmem:v3+s4+$0x0], $0xffff  }
0x75: {  	s23 =	simm.s32 $0x32D8;
	v3 =	vld.idx.msk [tilespmem:v9+s4+$0x0], $0xffff  }
0x76: {  	s25 =	simm.s32 $0x0;
	s26 =	simm.s32 $0x1418;
	s22 =	simm.s32 $0x22D8;
	v0 =	vshll.u32 v6, $0x3;
	v1 =	vshll.u32 v8, $0x3;
	v6 =	vld.idx.msk [tilespmem:v10+s4+$0x0], $0xffff  }
.LBB2_8:
0x77: {  	v8 =	vld [tilespmem:s26+$0x30];
	s25 =	sadd.s32 $0x80, s25;
	[tilespmem:s23+$0x30] =	vst v7;
	s24 =	simm.s32 $0x4218  }
0x78: {  	v7 =	vld [tilespmem:s26+$0xFFFFFFD0];
	p0 =	slt.u32 s25, $0xF00;
	[tilespmem:s23+$0xFFFFFFD0] =	vst v4  }
0x79: {  	v4 =	vld [tilespmem:s26+$0xFFFFFFE0];
	[tilespmem:s23+$0xFFFFFFE0] =	vst v5  }
0x7a: {  	v5 =	vld [tilespmem:s26+$0xFFFFFFF0];
	[tilespmem:s23+$0xFFFFFFF0] =	vst v2  }
0x7b: {  	v2 =	vld [tilespmem:s26+$0x0];
	[tilespmem:s23+$0x0] =	vst v3  }
0x7c: {  	v3 =	vld [tilespmem:s26+$0x10];
	v8 =	vshll.u32 v8, $0x3;
	[tilespmem:s23+$0x10] =	vst v6  }
0x7d: {  	v6 =	vshll.u32 v7, $0x3;
	v9 =	vld [tilespmem:s26+$0x20]  }
0x7e: {  	v10 =	vld [tilespmem:s26+$0xFFFFFFC0];
	v11 =	vshll.u32 v4, $0x3  }
0x7f: {  	v12 =	vshll.u32 v5, $0x3;
	v13 =	vld.idx.msk [tilespmem:v1+s4+$0x0], $0xffff  }
0x80: {  	v14 =	vshll.u32 v2, $0x3;
	v15 =	vld.idx.msk [tilespmem:v0+s4+$0x0], $0xffff  }
0x81: {  	v16 =	vshll.u32 v3, $0x3;
	v7 =	vld.idx.msk [tilespmem:v8+s4+$0x0], $0xffff  }
.Ltmp7:
0x82: {  	v4 =	vld.idx.msk [tilespmem:v6+s4+$0x0], $0xffff;
	v0 =	vshll.u32 v9, $0x3;
	(pc) =	sbr.rel @p0 .LBB2_8-.Ltmp7, $4  }
0x83: {  	v1 =	vshll.u32 v10, $0x3;
	v5 =	vld.idx.msk [tilespmem:v11+s4+$0x0], $0xffff  }
0x84: {  	v2 =	vld.idx.msk [tilespmem:v12+s4+$0x0], $0xffff  }
0x85: {  	v3 =	vld.idx.msk [tilespmem:v14+s4+$0x0], $0xffff;
	[tilespmem:s23+$0xFFFFFFC0] =	vst v13  }
0x86: {  	s26 =	sadd.s32 $0x80, s26;
	v6 =	vld.idx.msk [tilespmem:v16+s4+$0x0], $0xffff;
	[tilespmem:s23+$0x20] =	vst v15;
	s23 =	sadd.s32 $0x80, s23  }
0x87: {  	_ =	sdelay $0x2  }
0x88: {  	[tilespmem:s23+$0x30] =	vst v7  }
0x89: {  	[tilespmem:s23+$0xFFFFFFD0] =	vst v4;
	v1 =	vld.idx.msk [tilespmem:v1+s4+$0x0], $0xffff  }
0x8a: {  	v0 =	vld.idx.msk [tilespmem:v0+s4+$0x0], $0xffff;
	[tilespmem:s23+$0xFFFFFFE0] =	vst v5  }
0x8b: {  	[tilespmem:s23+$0xFFFFFFF0] =	vst v2  }
0x8c: {  	[tilespmem:s23+$0x0] =	vst v3  }
0x8d: {  	[tilespmem:s23+$0x10] =	vst v6  }
0x8e: {  	[tilespmem:s23+$0xFFFFFFC0] =	vst v1  }
0x8f: {  	s25 =	simm.s32 $0xF70;
	[tilespmem:s23+$0x20] =	vst v0  }
.LBB2_10:
0x90: {  	v0 =	vld [tilespmem:s22+$0x0];
	_ =	sdelay $0x4  }
0x91: {  	v0 =	vshll.u32 v0, $0x3;
	_ =	sdelay $0x3  }
0x92: {  	s25 =	sadd.s32 $0x10, s25  }
0x93: {  	p0 =	slt.u32 s25, $0xF90;
	v0 =	vld.idx.msk [tilespmem:v0+s4+$0x0], $0xffff  }
.Ltmp8:
0x94: {  	_ = 	snop;
	(pc) =	sbr.rel @p0 .LBB2_10-.Ltmp8, $2  }
0x95: {  	_ =	sdelay $0x2  }
0x96: {  	s22 =	sadd.s32 $0x10, s22;
	[tilespmem:s24+$0x0] =	vst v0;
	s24 =	sadd.s32 $0x10, s24  }
0x97: {  	s22 =	smul.u32 $0x1F4, s21  }
0x98: {  	p0 =	sgt.u32 s21, $0x1B3  }
0x99: {  	s21 =	smul.u32 @!p0 $0xFA0, s21;
	s22 =	sadd.s32 s6, s22  }
0x9a: {  	[hbm4b:s22+s4] =	stream.linear.scatter [tilespmem:s16], [sflag:$0x4], $0xFA0, $0x38;
	[tilespmem:$0x4238] =	vst v63  }
.Ltmp9:
0x9b: {  	_ = 	snop;
	(pc) =	sbr.rel .LBB2_12-.Ltmp9, $4  }
0x9c: {  	s21 =	sshrl.u32 @!p0 s21, $0x3  }
0x9d: {  	s21 =	sadd.s32 @!p0 s1, s21  }
0x9e: {  	s23 =	simm.s32 @!p0 $0x1358;
	s22 =	simm.s32 @!p0 $0x0;
	s21 =	sadd.s32 @!p0 $0x7D00, s21  }
0x9f: {  	[tilespmem:s23], [sflag:$0x2] =	stream.linear.gather @!p0 [hbm4b:s21+s22], $0xFA0, $0x38;
	[tilespmem:$0x4238] =	vst v63  }
.LBB2_14:
0xa0: {  	_ =	sfence.sel $0x180000  }
0xa1: {  	[bflag:$0x0] =	sbarrier.arrive $0xFFFF  }
0xa2: {  	p0 =	sne.s32 s0, $0x0;
	_ =	strace $0x90000047  }
0xa3: {  	s0 =	sadd.s32 @!p0 $0x100000, s2;
	[bflag:$0x2] =	sbarrier.arrive $0xFFFF  }
0xa4: {  	[sflag:s0] =	ssyncadd.tile.s32 @!p0 $0x1;
	_ =	shalt  }
.Lfunc_end2:
_tile_overlayer_lowered:
.L_overlay_start_2:
0xa5: {  	(tag) =	ssettag $0x2  }
0xa6: {  	s0 =	rddreg [dreg:$0x0];
	s2 =	stileid.u32  }
0xa7: {  	s1 =	rddreg [dreg:$0x1];
	p0 =	sne.s32 s2, $0x0  }
0xa8: {  	s3 =	rddreg [dreg:$0x2];
	[bflag:$0x3] =	sbarrier.arrive $0xFFFF;
	s2 =	simm.s32 @!p0 $0x1C05  }
0xa9: {  	[timem:s3], [sflag:s2] =	dma.local @!p0 [hbm:s0], s1  }
0xaa: {  	s0 =	simm.s32 @!p0 $0x5  }
0xab: {  	_ =	swait.ge @!p0 [sflag:s0], s1  }
0xac: {  	s1 =	ssub.s32 @!p0 $0x0, s1;
	[sflag:s0] =	ssyncset.done @!p0 $0x0  }
0xad: {  	[sflag:s0] =	ssyncadd.s32 @!p0 s1  }
0xae: {  	[bflag:$0x3] =	sbarrier.arrive $0xFFFF  }
0xaf: {  	_ =	shalt  }

</sc_bundles>
